<compile_context>
chip_gen: v7x
topology: tpu7x:2x2x1
jax: 0.10.2.dev20260603
libtpu: 0.0.44.dev20260713+nightly
codegen_flags: <defaults>
</compile_context>

<pallas_src>
import functools

import jax
import jax.numpy as jnp
from jax import lax
from jax.experimental import pallas as pl
from jax.experimental.pallas import tpu as pltpu
from jax.experimental.pallas import tpu_sc as plsc

_G = 16
_LANE = 128
_CHUNK = 80


def _sc_segment_sum(t_off, f, n_chunks, chunks_per_tile):
    mesh = plsc.VectorSubcoreMesh(core_axis_name="c", subcore_axis_name="s")
    nc = mesh.num_cores
    ns = mesh.num_subcores

    @functools.partial(
        pl.kernel,
        out_type=jax.ShapeDtypeStruct((nc, _G, f), jnp.float32),
        mesh=mesh,
        scratch_types=[
            [pltpu.VMEM((_CHUNK, f), jnp.float32)] * chunks_per_tile,
            [pltpu.VMEM((_CHUNK,), jnp.int32)] * chunks_per_tile,
            pltpu.VMEM((_G, f), jnp.float32),
            pltpu.VMEM((_G,), jnp.int32),
            pltpu.VMEM_SHARED((ns, _G, f), jnp.float32),
            [pltpu.SemaphoreType.DMA] * (2 * chunks_per_tile),
            pltpu.SemaphoreType.DMA,
        ],
    )
    def seg_sum(x_hbm, seg_hbm, zeros_hbm, out_hbm,
                chunk_v, idx_v, mrg_v, iota_v, acc_sh, load_sems, scat_sem):
        c_id = lax.axis_index("c")
        s_id = lax.axis_index("s")
        wid = s_id * nc + c_id
        n_workers = nc * ns

        for k in range(chunks_per_tile):
            cid = wid + k * n_workers

            @pl.when(cid < n_chunks)
            def _fire():
                base = t_off + cid * _CHUNK
                pltpu.async_copy(x_hbm.at[pl.ds(base, _CHUNK)],
                                 chunk_v[k], load_sems[2 * k])
                pltpu.async_copy(seg_hbm.at[pl.ds(base, _CHUNK)],
                                 idx_v[k], load_sems[2 * k + 1])

        pltpu.sync_copy(zeros_hbm, acc_sh.at[s_id])

        for k in range(chunks_per_tile):
            cid = wid + k * n_workers

            @pl.when(cid < n_chunks)
            def _scatter():
                base = t_off + cid * _CHUNK
                pltpu.make_async_copy(x_hbm.at[pl.ds(base, _CHUNK)],
                                      chunk_v[k], load_sems[2 * k]).wait()
                pltpu.make_async_copy(seg_hbm.at[pl.ds(base, _CHUNK)],
                                      idx_v[k], load_sems[2 * k + 1]).wait()
                pltpu.async_copy(chunk_v[k], acc_sh.at[s_id].at[idx_v[k]],
                                 scat_sem, add=True)

        for k in range(chunks_per_tile):
            cid = wid + k * n_workers

            @pl.when(cid < n_chunks)
            def _drain():
                pltpu.make_async_copy(chunk_v[k],
                                      acc_sh.at[s_id].at[idx_v[k]],
                                      scat_sem).wait()

        iota_v[...] = lax.iota(jnp.int32, _G)
        plsc.subcore_barrier()

        @pl.when(s_id > 0)
        def _merge():
            pltpu.sync_copy(acc_sh.at[s_id], mrg_v)
            pltpu.sync_copy(mrg_v, acc_sh.at[0].at[iota_v], add=True)

        plsc.subcore_barrier()

        @pl.when(s_id == 0)
        def _flush():
            pltpu.sync_copy(acc_sh.at[0], out_hbm.at[c_id])

    return seg_sum


def _head_kernel(seg_ref, x_ref, part_ref, fc1w_ref, fc1b_ref, outw_ref,
                 outb_ref, o_ref, *, t_rows):
    seg = seg_ref[0, 0, :]
    gids = jax.lax.broadcasted_iota(jnp.int32, (_G, t_rows), 0)
    mask = (seg[None, :] == gids).astype(jnp.float32)
    acc = jnp.dot(mask, x_ref[...], preferred_element_type=jnp.float32)
    pooled = acc + part_ref[0] + part_ref[1]
    h = jnp.dot(pooled, fc1w_ref[...],
                preferred_element_type=jnp.float32) + fc1b_ref[0, :]
    logits = jnp.dot(h, outw_ref[...],
                     preferred_element_type=jnp.float32) + outb_ref[0, :]
    o_ref[...] = jax.nn.sigmoid(logits)


def kernel(x, edge_index, seg, kernel0, a_self0, a_neigh0, bias0,
           kernel1, a_self1, a_neigh1, bias1, fc1_W, fc1_b, out_W, out_b):
    n, f = x.shape
    pre = fc1_W.shape[1]
    ncls = out_W.shape[1]
    t_rows = 4960
    n_chunks = (n - t_rows) // _CHUNK
    n_workers = 32
    chunks_per_tile = -(-n_chunks // n_workers)

    seg_i = seg.astype(jnp.int32)
    zeros = jnp.zeros((_G, f), jnp.float32)
    partial = _sc_segment_sum(t_rows, f, n_chunks,
                              chunks_per_tile)(x, seg_i, zeros)
    seg3 = seg_i[:t_rows].reshape(1, 1, t_rows)

    outw_p = jnp.zeros((pre, _LANE), jnp.float32).at[:, :ncls].set(out_W)
    outb_p = jnp.zeros((1, _LANE), jnp.float32).at[0, :ncls].set(out_b)
    fc1b2 = fc1_b.reshape(1, pre)

    out_padded = pl.pallas_call(
        functools.partial(_head_kernel, t_rows=t_rows),
        grid=(1,),
        in_specs=[
            pl.BlockSpec((1, 1, t_rows), lambda i: (0, 0, 0)),
            pl.BlockSpec((t_rows, f), lambda i: (0, 0)),
            pl.BlockSpec((2, _G, f), lambda i: (0, 0, 0)),
            pl.BlockSpec((f, pre), lambda i: (0, 0)),
            pl.BlockSpec((1, pre), lambda i: (0, 0)),
            pl.BlockSpec((pre, _LANE), lambda i: (0, 0)),
            pl.BlockSpec((1, _LANE), lambda i: (0, 0)),
        ],
        out_specs=pl.BlockSpec((_G, _LANE), lambda i: (0, 0)),
        out_shape=jax.ShapeDtypeStruct((_G, _LANE), jnp.float32),
    )(seg3, x, partial, fc1_W, fc1b2, outw_p, outb_p)
    return out_padded[:, :ncls]

# --- scband reference (transcript-rebuilt; emitter-appended) ---
"""Pipeline reference for scband-time-series-gat-24816321036832 (READ-ONLY COPY).

The authoritative reference and input builder live on the scoring server;
editing this copy changes nothing except your own understanding.
"""

import jax, jax.numpy as jnp
import numpy as np

N = 10000
E = 320000
F = 128
H = 8
C1 = 8
NCLS = 2
G = 16
PRE = 32


def setup_inputs(seed: int = 0) -> dict:
    key = jax.random.key(seed)
    ks = jax.random.split(key, 16)
    s = 0.05
    return {
        "x": jax.random.normal(ks[0], (N, F), jnp.float32),
        "edge_index": jax.random.randint(ks[1], (2, E), 0, N),
        "seg": jnp.sort(jax.random.randint(ks[2], (N,), 0, G)),
        "kernel0": jax.random.normal(ks[3], (F, H, C1), jnp.float32) * s,
        "a_self0": jax.random.normal(ks[4], (H, C1), jnp.float32) * s,
        "a_neigh0": jax.random.normal(ks[5], (H, C1), jnp.float32) * s,
        "bias0": jnp.zeros((H * C1,), jnp.float32),
        "kernel1": jax.random.normal(ks[6], (F, H, NCLS), jnp.float32) * s,
        "a_self1": jax.random.normal(ks[7], (H, NCLS), jnp.float32) * s,
        "a_neigh1": jax.random.normal(ks[8], (H, NCLS), jnp.float32) * s,
        "bias1": jnp.zeros((H * NCLS,), jnp.float32),
        "fc1_W": jax.random.normal(ks[9], (F, PRE), jnp.float32) * s,
        "fc1_b": jnp.zeros((PRE,), jnp.float32),
        "out_W": jax.random.normal(ks[10], (PRE, NCLS), jnp.float32) * s,
        "out_b": jnp.zeros((NCLS,), jnp.float32),
    }


def _elu(v):
    return jnp.where(v > 0, v, jnp.expm1(v))


def _leaky_relu(v):
    return jnp.where(v > 0, v, 0.2 * v)


def _gat_layer(x, tgt, src, kernel, a_self, a_neigh, bias):
    # Spektral-style GATConv, single (sparse) mode, concat_heads=True, dropout
    # inactive at inference, add_self_loops handled by caller.
    n = x.shape[0]
    xp = jnp.einsum('nf,fhc->nhc', x, kernel)           # [N, H, C]
    attn_self = jnp.sum(xp * a_self[None], axis=-1)      # [N, H]
    attn_neigh = jnp.sum(xp * a_neigh[None], axis=-1)    # [N, H]
    e = _leaky_relu(attn_self[tgt] + attn_neigh[src])    # [E', H]
    m = jax.ops.segment_max(e, tgt, num_segments=n)      # segment softmax (stable)
    ex = jnp.exp(e - m[tgt])
    denom = jax.ops.segment_sum(ex, tgt, num_segments=n)
    alpha = ex / (denom[tgt] + 1e-9)                     # [E', H]
    out = jax.ops.segment_sum(alpha[:, :, None] * xp[src], tgt, num_segments=n)  # [N, H, C]
    out = out.reshape(n, -1) + bias
    return _elu(out)


def reference(x, edge_index, seg, kernel0, a_self0, a_neigh0, bias0,
              kernel1, a_self1, a_neigh1, bias1, fc1_W, fc1_b, out_W, out_b):
    n = x.shape[0]
    loop = jnp.arange(n)
    tgt = jnp.concatenate([edge_index[0], loop])  # add self loops
    src = jnp.concatenate([edge_index[1], loop])
    # NOTE: faithful to the original call(): the GAT layer outputs are computed
    # but NOT fed back into x (x is never reassigned in the original code).
    out = _gat_layer(x, tgt, src, kernel0, a_self0, a_neigh0, bias0)
    out = _gat_layer(x, tgt, src, kernel1, a_self1, a_neigh1, bias1)
    # GlobalSumPool([x, i]) uses x, per the original code
    pooled = jax.ops.segment_sum(x, seg, num_segments=G)  # [G, F]
    h = pooled @ fc1_W + fc1_b
    logits = h @ out_W + out_b
    return jax.nn.sigmoid(logits)

if __name__ == "__main__":
    import jax
    _d = setup_inputs()
    print(jax.jit(kernel)(*tuple(_d.values())))

</pallas_src>

<mosaic_0001>
#map = affine_map<(d0, d1) -> (0, 0)>
#map1 = affine_map<(d0, d1) -> (0)>
#map2 = affine_map<(d0, d1) -> (0, 0, 0)>
module attributes {stable_mosaic.version = 14 : i64} {
  func.func @seg_sum(%arg0: i32, %arg1: i32, %arg2: memref<10000x128xf32, #tpu.memory_space<hbm>>, %arg3: memref<10000xi32, #tpu.memory_space<hbm>>, %arg4: memref<16x128xf32, #tpu.memory_space<hbm>>, %arg5: memref<2x16x128xf32, #tpu.memory_space<hbm>>, %arg6: memref<80x128xf32, #tpu.memory_space<vmem>>, %arg7: memref<80x128xf32, #tpu.memory_space<vmem>>, %arg8: memref<80xi32, #tpu.memory_space<vmem>>, %arg9: memref<80xi32, #tpu.memory_space<vmem>>, %arg10: memref<16x128xf32, #tpu.memory_space<vmem>>, %arg11: memref<16xi32, #tpu.memory_space<vmem>>, %arg12: memref<16x16x128xf32, #tpu.memory_space<vmem_shared>>, %arg13: memref<!tpu.dma_semaphore, #tpu.memory_space<semaphore_mem>>, %arg14: memref<!tpu.dma_semaphore, #tpu.memory_space<semaphore_mem>>, %arg15: memref<!tpu.dma_semaphore, #tpu.memory_space<semaphore_mem>>, %arg16: memref<!tpu.dma_semaphore, #tpu.memory_space<semaphore_mem>>, %arg17: memref<!tpu.dma_semaphore, #tpu.memory_space<semaphore_mem>>) attributes {dimension_semantics = [#tpu.dimension_semantics<core_parallel>, #tpu.dimension_semantics<subcore_parallel>], iteration_bounds = array<i64: 2, 16>, scalar_prefetch = 0 : i64, scratch_operands = 12 : i64, tpu.core_type = #tpu.core_type<sc_vector_subcore>, window_params = [{transform_indices = #map}, {transform_indices = #map1}, {transform_indices = #map}, {transform_indices = #map2}]} {
    %mul3A = arith.constant 2 : i32
    %mul3A_0 = arith.muli %arg1, %mul3A : i32
    %add3A = arith.addi %mul3A_0, %arg0 : i32
    %add3A_1 = arith.constant 0 : i32
    %add3A_2 = arith.addi %add3A, %add3A_1 : i32
    %lt3A = arith.constant 63 : i32
    %lt3A_3 = arith.cmpi slt, %add3A_2, %lt3A : i32
    %convert_element_type3A = arith.extui %lt3A_3 : i1 to i32
    %cond3A = arith.constant 0 : i32
    %cond3A_4 = arith.cmpi ne, %convert_element_type3A, %cond3A : i32
    scf.if %cond3A_4 {
      %mul3A_52 = arith.constant 80 : i32
      %mul3A_53 = arith.muli %add3A_2, %mul3A_52 : i32
      %add3A_54 = arith.constant 4960 : i32
      %add3A_55 = arith.addi %add3A_54, %mul3A_53 : i32
      %dma_start3A = arith.constant 0 : i32
      %dma_start3A_56 = tpu.memref_slice %arg2[%add3A_55, %dma_start3A] : memref<10000x128xf32, #tpu.memory_space<hbm>> -> memref<80x128xf32, #tpu.memory_space<hbm>>
      %dma_start3A_57 = arith.constant 0 : i32
      %dma_start3A_58 = tpu.memref_slice %arg2[%add3A_55, %dma_start3A_57] : memref<10000x128xf32, #tpu.memory_space<hbm>> -> memref<80x128xf32, #tpu.memory_space<hbm>>
      tpu.enqueue_dma source(%dma_start3A_58 : memref<80x128xf32, #tpu.memory_space<hbm>>) target(%arg6 : memref<80x128xf32, #tpu.memory_space<vmem>>) target_semaphore(%arg13 : memref<!tpu.dma_semaphore, #tpu.memory_space<semaphore_mem>>)
      %dma_start3A_59 = tpu.memref_slice %arg3[%add3A_55] : memref<10000xi32, #tpu.memory_space<hbm>> -> memref<80xi32, #tpu.memory_space<hbm>>
      %dma_start3A_60 = tpu.memref_slice %arg3[%add3A_55] : memref<10000xi32, #tpu.memory_space<hbm>> -> memref<80xi32, #tpu.memory_space<hbm>>
      tpu.enqueue_dma source(%dma_start3A_60 : memref<80xi32, #tpu.memory_space<hbm>>) target(%arg8 : memref<80xi32, #tpu.memory_space<vmem>>) target_semaphore(%arg14 : memref<!tpu.dma_semaphore, #tpu.memory_space<semaphore_mem>>)
    } else {
    }
    %add3A_5 = arith.constant 32 : i32
    %add3A_6 = arith.addi %add3A, %add3A_5 : i32
    %lt3A_7 = arith.constant 63 : i32
    %lt3A_8 = arith.cmpi slt, %add3A_6, %lt3A_7 : i32
    %convert_element_type3A_9 = arith.extui %lt3A_8 : i1 to i32
    %cond3A_10 = arith.constant 0 : i32
    %cond3A_11 = arith.cmpi ne, %convert_element_type3A_9, %cond3A_10 : i32
    scf.if %cond3A_11 {
      %mul3A_52 = arith.constant 80 : i32
      %mul3A_53 = arith.muli %add3A_6, %mul3A_52 : i32
      %add3A_54 = arith.constant 4960 : i32
      %add3A_55 = arith.addi %add3A_54, %mul3A_53 : i32
      %dma_start3A = arith.constant 0 : i32
      %dma_start3A_56 = tpu.memref_slice %arg2[%add3A_55, %dma_start3A] : memref<10000x128xf32, #tpu.memory_space<hbm>> -> memref<80x128xf32, #tpu.memory_space<hbm>>
      %dma_start3A_57 = arith.constant 0 : i32
      %dma_start3A_58 = tpu.memref_slice %arg2[%add3A_55, %dma_start3A_57] : memref<10000x128xf32, #tpu.memory_space<hbm>> -> memref<80x128xf32, #tpu.memory_space<hbm>>
      tpu.enqueue_dma source(%dma_start3A_58 : memref<80x128xf32, #tpu.memory_space<hbm>>) target(%arg7 : memref<80x128xf32, #tpu.memory_space<vmem>>) target_semaphore(%arg15 : memref<!tpu.dma_semaphore, #tpu.memory_space<semaphore_mem>>)
      %dma_start3A_59 = tpu.memref_slice %arg3[%add3A_55] : memref<10000xi32, #tpu.memory_space<hbm>> -> memref<80xi32, #tpu.memory_space<hbm>>
      %dma_start3A_60 = tpu.memref_slice %arg3[%add3A_55] : memref<10000xi32, #tpu.memory_space<hbm>> -> memref<80xi32, #tpu.memory_space<hbm>>
      tpu.enqueue_dma source(%dma_start3A_60 : memref<80xi32, #tpu.memory_space<hbm>>) target(%arg9 : memref<80xi32, #tpu.memory_space<vmem>>) target_semaphore(%arg16 : memref<!tpu.dma_semaphore, #tpu.memory_space<semaphore_mem>>)
    } else {
    }
    "tpu.region"() ({
      %run_scoped3A = tpu.sem_alloc : memref<!tpu.dma_semaphore, #tpu.memory_space<semaphore_mem>>
      %dma_start3A = arith.constant 0 : i32
      %dma_start3A_52 = arith.constant 0 : i32
      %dma_start3A_53 = tpu.memref_slice %arg12[%arg1, %dma_start3A, %dma_start3A_52] : memref<16x16x128xf32, #tpu.memory_space<vmem_shared>> -> memref<1x16x128xf32, #tpu.memory_space<vmem_shared>>
      %dma_start3A_54 = tpu.memref_squeeze %dma_start3A_53 : memref<1x16x128xf32, #tpu.memory_space<vmem_shared>> -> memref<16x128xf32, #tpu.memory_space<vmem_shared>>
      tpu.enqueue_dma source(%arg4 : memref<16x128xf32, #tpu.memory_space<hbm>>) target(%dma_start3A_54 : memref<16x128xf32, #tpu.memory_space<vmem_shared>>) target_semaphore(%run_scoped3A : memref<!tpu.dma_semaphore, #tpu.memory_space<semaphore_mem>>)
      %dma_wait3A = arith.constant 0 : i32
      %dma_wait3A_55 = arith.constant 0 : i32
      %dma_wait3A_56 = tpu.memref_slice %arg12[%arg1, %dma_wait3A, %dma_wait3A_55] : memref<16x16x128xf32, #tpu.memory_space<vmem_shared>> -> memref<1x16x128xf32, #tpu.memory_space<vmem_shared>>
      %dma_wait3A_57 = tpu.memref_squeeze %dma_wait3A_56 : memref<1x16x128xf32, #tpu.memory_space<vmem_shared>> -> memref<16x128xf32, #tpu.memory_space<vmem_shared>>
      tpu.wait_dma2 semaphore(%run_scoped3A : memref<!tpu.dma_semaphore, #tpu.memory_space<semaphore_mem>>) src(%arg4 : memref<16x128xf32, #tpu.memory_space<hbm>>) dst(%dma_wait3A_57 : memref<16x128xf32, #tpu.memory_space<vmem_shared>>)
      tpu.yield
    }) : () -> ()
    %add3A_12 = arith.constant 0 : i32
    %add3A_13 = arith.addi %add3A, %add3A_12 : i32
    %lt3A_14 = arith.constant 63 : i32
    %lt3A_15 = arith.cmpi slt, %add3A_13, %lt3A_14 : i32
    %convert_element_type3A_16 = arith.extui %lt3A_15 : i1 to i32
    %cond3A_17 = arith.constant 0 : i32
    %cond3A_18 = arith.cmpi ne, %convert_element_type3A_16, %cond3A_17 : i32
    scf.if %cond3A_18 {
      %mul3A_52 = arith.constant 80 : i32
      %mul3A_53 = arith.muli %add3A_13, %mul3A_52 : i32
      %add3A_54 = arith.constant 4960 : i32
      %add3A_55 = arith.addi %add3A_54, %mul3A_53 : i32
      %dma_wait3A = arith.constant 0 : i32
      %dma_wait3A_56 = tpu.memref_slice %arg2[%add3A_55, %dma_wait3A] : memref<10000x128xf32, #tpu.memory_space<hbm>> -> memref<80x128xf32, #tpu.memory_space<hbm>>
      %dma_wait3A_57 = arith.constant 0 : i32
      %dma_wait3A_58 = tpu.memref_slice %arg2[%add3A_55, %dma_wait3A_57] : memref<10000x128xf32, #tpu.memory_space<hbm>> -> memref<80x128xf32, #tpu.memory_space<hbm>>
      tpu.wait_dma2 semaphore(%arg13 : memref<!tpu.dma_semaphore, #tpu.memory_space<semaphore_mem>>) src(%dma_wait3A_58 : memref<80x128xf32, #tpu.memory_space<hbm>>) dst(%arg6 : memref<80x128xf32, #tpu.memory_space<vmem>>)
      %dma_wait3A_59 = tpu.memref_slice %arg3[%add3A_55] : memref<10000xi32, #tpu.memory_space<hbm>> -> memref<80xi32, #tpu.memory_space<hbm>>
      %dma_wait3A_60 = tpu.memref_slice %arg3[%add3A_55] : memref<10000xi32, #tpu.memory_space<hbm>> -> memref<80xi32, #tpu.memory_space<hbm>>
      tpu.wait_dma2 semaphore(%arg14 : memref<!tpu.dma_semaphore, #tpu.memory_space<semaphore_mem>>) src(%dma_wait3A_60 : memref<80xi32, #tpu.memory_space<hbm>>) dst(%arg8 : memref<80xi32, #tpu.memory_space<vmem>>)
      %dma_start3A = arith.constant 0 : i32
      %dma_start3A_61 = arith.constant 0 : i32
      %dma_start3A_62 = tpu.memref_slice %arg12[%arg1, %dma_start3A, %dma_start3A_61] : memref<16x16x128xf32, #tpu.memory_space<vmem_shared>> -> memref<1x16x128xf32, #tpu.memory_space<vmem_shared>>
      %dma_start3A_63 = tpu.memref_squeeze %dma_start3A_62 : memref<1x16x128xf32, #tpu.memory_space<vmem_shared>> -> memref<16x128xf32, #tpu.memory_space<vmem_shared>>
      %dma_start3A_64 = arith.constant 0 : i32
      %dma_start3A_65 = arith.constant 0 : i32
      %dma_start3A_66 = tpu.memref_slice %dma_start3A_63[%dma_start3A_64, %dma_start3A_65] : memref<16x128xf32, #tpu.memory_space<vmem_shared>> -> memref<16x128xf32, #tpu.memory_space<vmem_shared>>
      tpu.enqueue_indirect_dma source(%arg6 : memref<80x128xf32, #tpu.memory_space<vmem>>) target(%dma_start3A_66 : memref<16x128xf32, #tpu.memory_space<vmem_shared>>) offsets(%arg8 : memref<80xi32, #tpu.memory_space<vmem>>) semaphore(%arg17 : memref<!tpu.dma_semaphore, #tpu.memory_space<semaphore_mem>>) {add = true}
    } else {
    }
    %add3A_19 = arith.constant 32 : i32
    %add3A_20 = arith.addi %add3A, %add3A_19 : i32
    %lt3A_21 = arith.constant 63 : i32
    %lt3A_22 = arith.cmpi slt, %add3A_20, %lt3A_21 : i32
    %convert_element_type3A_23 = arith.extui %lt3A_22 : i1 to i32
    %cond3A_24 = arith.constant 0 : i32
    %cond3A_25 = arith.cmpi ne, %convert_element_type3A_23, %cond3A_24 : i32
    scf.if %cond3A_25 {
      %mul3A_52 = arith.constant 80 : i32
      %mul3A_53 = arith.muli %add3A_20, %mul3A_52 : i32
      %add3A_54 = arith.constant 4960 : i32
      %add3A_55 = arith.addi %add3A_54, %mul3A_53 : i32
      %dma_wait3A = arith.constant 0 : i32
      %dma_wait3A_56 = tpu.memref_slice %arg2[%add3A_55, %dma_wait3A] : memref<10000x128xf32, #tpu.memory_space<hbm>> -> memref<80x128xf32, #tpu.memory_space<hbm>>
      %dma_wait3A_57 = arith.constant 0 : i32
      %dma_wait3A_58 = tpu.memref_slice %arg2[%add3A_55, %dma_wait3A_57] : memref<10000x128xf32, #tpu.memory_space<hbm>> -> memref<80x128xf32, #tpu.memory_space<hbm>>
      tpu.wait_dma2 semaphore(%arg15 : memref<!tpu.dma_semaphore, #tpu.memory_space<semaphore_mem>>) src(%dma_wait3A_58 : memref<80x128xf32, #tpu.memory_space<hbm>>) dst(%arg7 : memref<80x128xf32, #tpu.memory_space<vmem>>)
      %dma_wait3A_59 = tpu.memref_slice %arg3[%add3A_55] : memref<10000xi32, #tpu.memory_space<hbm>> -> memref<80xi32, #tpu.memory_space<hbm>>
      %dma_wait3A_60 = tpu.memref_slice %arg3[%add3A_55] : memref<10000xi32, #tpu.memory_space<hbm>> -> memref<80xi32, #tpu.memory_space<hbm>>
      tpu.wait_dma2 semaphore(%arg16 : memref<!tpu.dma_semaphore, #tpu.memory_space<semaphore_mem>>) src(%dma_wait3A_60 : memref<80xi32, #tpu.memory_space<hbm>>) dst(%arg9 : memref<80xi32, #tpu.memory_space<vmem>>)
      %dma_start3A = arith.constant 0 : i32
      %dma_start3A_61 = arith.constant 0 : i32
      %dma_start3A_62 = tpu.memref_slice %arg12[%arg1, %dma_start3A, %dma_start3A_61] : memref<16x16x128xf32, #tpu.memory_space<vmem_shared>> -> memref<1x16x128xf32, #tpu.memory_space<vmem_shared>>
      %dma_start3A_63 = tpu.memref_squeeze %dma_start3A_62 : memref<1x16x128xf32, #tpu.memory_space<vmem_shared>> -> memref<16x128xf32, #tpu.memory_space<vmem_shared>>
      %dma_start3A_64 = arith.constant 0 : i32
      %dma_start3A_65 = arith.constant 0 : i32
      %dma_start3A_66 = tpu.memref_slice %dma_start3A_63[%dma_start3A_64, %dma_start3A_65] : memref<16x128xf32, #tpu.memory_space<vmem_shared>> -> memref<16x128xf32, #tpu.memory_space<vmem_shared>>
      tpu.enqueue_indirect_dma source(%arg7 : memref<80x128xf32, #tpu.memory_space<vmem>>) target(%dma_start3A_66 : memref<16x128xf32, #tpu.memory_space<vmem_shared>>) offsets(%arg9 : memref<80xi32, #tpu.memory_space<vmem>>) semaphore(%arg17 : memref<!tpu.dma_semaphore, #tpu.memory_space<semaphore_mem>>) {add = true}
    } else {
    }
    %add3A_26 = arith.constant 0 : i32
    %add3A_27 = arith.addi %add3A, %add3A_26 : i32
    %lt3A_28 = arith.constant 63 : i32
    %lt3A_29 = arith.cmpi slt, %add3A_27, %lt3A_28 : i32
    %convert_element_type3A_30 = arith.extui %lt3A_29 : i1 to i32
    %cond3A_31 = arith.constant 0 : i32
    %cond3A_32 = arith.cmpi ne, %convert_element_type3A_30, %cond3A_31 : i32
    scf.if %cond3A_32 {
      %dma_wait3A = arith.constant 0 : i32
      %dma_wait3A_52 = arith.constant 0 : i32
      %dma_wait3A_53 = tpu.memref_slice %arg12[%arg1, %dma_wait3A, %dma_wait3A_52] : memref<16x16x128xf32, #tpu.memory_space<vmem_shared>> -> memref<1x16x128xf32, #tpu.memory_space<vmem_shared>>
      %dma_wait3A_54 = tpu.memref_squeeze %dma_wait3A_53 : memref<1x16x128xf32, #tpu.memory_space<vmem_shared>> -> memref<16x128xf32, #tpu.memory_space<vmem_shared>>
      %dma_wait3A_55 = arith.constant 0 : i32
      %dma_wait3A_56 = arith.constant 0 : i32
      %dma_wait3A_57 = tpu.memref_slice %dma_wait3A_54[%dma_wait3A_55, %dma_wait3A_56] : memref<16x128xf32, #tpu.memory_space<vmem_shared>> -> memref<16x128xf32, #tpu.memory_space<vmem_shared>>
      tpu.wait_indirect_dma semaphore(%arg17 : memref<!tpu.dma_semaphore, #tpu.memory_space<semaphore_mem>>) src(%arg6 : memref<80x128xf32, #tpu.memory_space<vmem>>) dst(%dma_wait3A_57 : memref<16x128xf32, #tpu.memory_space<vmem_shared>>)
    } else {
    }
    %add3A_33 = arith.constant 32 : i32
    %add3A_34 = arith.addi %add3A, %add3A_33 : i32
    %lt3A_35 = arith.constant 63 : i32
    %lt3A_36 = arith.cmpi slt, %add3A_34, %lt3A_35 : i32
    %convert_element_type3A_37 = arith.extui %lt3A_36 : i1 to i32
    %cond3A_38 = arith.constant 0 : i32
    %cond3A_39 = arith.cmpi ne, %convert_element_type3A_37, %cond3A_38 : i32
    scf.if %cond3A_39 {
      %dma_wait3A = arith.constant 0 : i32
      %dma_wait3A_52 = arith.constant 0 : i32
      %dma_wait3A_53 = tpu.memref_slice %arg12[%arg1, %dma_wait3A, %dma_wait3A_52] : memref<16x16x128xf32, #tpu.memory_space<vmem_shared>> -> memref<1x16x128xf32, #tpu.memory_space<vmem_shared>>
      %dma_wait3A_54 = tpu.memref_squeeze %dma_wait3A_53 : memref<1x16x128xf32, #tpu.memory_space<vmem_shared>> -> memref<16x128xf32, #tpu.memory_space<vmem_shared>>
      %dma_wait3A_55 = arith.constant 0 : i32
      %dma_wait3A_56 = arith.constant 0 : i32
      %dma_wait3A_57 = tpu.memref_slice %dma_wait3A_54[%dma_wait3A_55, %dma_wait3A_56] : memref<16x128xf32, #tpu.memory_space<vmem_shared>> -> memref<16x128xf32, #tpu.memory_space<vmem_shared>>
      tpu.wait_indirect_dma semaphore(%arg17 : memref<!tpu.dma_semaphore, #tpu.memory_space<semaphore_mem>>) src(%arg7 : memref<80x128xf32, #tpu.memory_space<vmem>>) dst(%dma_wait3A_57 : memref<16x128xf32, #tpu.memory_space<vmem_shared>>)
    } else {
    }
    %iota3A = tpu.iota {dimensions = array<i32: 0>} : vector<16xi32>
    %swap3A = arith.constant 0 : index
    %swap3A_40 = tpu.vector_load %arg11[%swap3A] {strides = array<i32>} : memref<16xi32, #tpu.memory_space<vmem>>, vector<16xi32>,
    %swap3A_41 = vector.shape_cast %swap3A_40 : vector<16xi32> to vector<16xi32>
    %swap3A_42 = vector.shape_cast %iota3A : vector<16xi32> to vector<16xi32>
    tpu.vector_store %arg11[%swap3A], %swap3A_42 {strides = array<i32>} : memref<16xi32, #tpu.memory_space<vmem>>, vector<16xi32>,
    %barrier3A = arith.constant 0 : index
    tpu.barrier barrier_id(%barrier3A)
    %gt3A = arith.constant 0 : i32
    %gt3A_43 = arith.cmpi sgt, %arg1, %gt3A : i32
    %convert_element_type3A_44 = arith.extui %gt3A_43 : i1 to i32
    %cond3A_45 = arith.constant 0 : i32
    %cond3A_46 = arith.cmpi ne, %convert_element_type3A_44, %cond3A_45 : i32
    scf.if %cond3A_46 {
      "tpu.region"() ({
        %run_scoped3A_52 = tpu.sem_alloc : memref<!tpu.dma_semaphore, #tpu.memory_space<semaphore_mem>>
        %dma_start3A = arith.constant 0 : i32
        %dma_start3A_53 = arith.constant 0 : i32
        %dma_start3A_54 = tpu.memref_slice %arg12[%arg1, %dma_start3A, %dma_start3A_53] : memref<16x16x128xf32, #tpu.memory_space<vmem_shared>> -> memref<1x16x128xf32, #tpu.memory_space<vmem_shared>>
        %dma_start3A_55 = tpu.memref_squeeze %dma_start3A_54 : memref<1x16x128xf32, #tpu.memory_space<vmem_shared>> -> memref<16x128xf32, #tpu.memory_space<vmem_shared>>
        %dma_start3A_56 = arith.constant 0 : i32
        %dma_start3A_57 = arith.constant 0 : i32
        %dma_start3A_58 = tpu.memref_slice %arg12[%arg1, %dma_start3A_56, %dma_start3A_57] : memref<16x16x128xf32, #tpu.memory_space<vmem_shared>> -> memref<1x16x128xf32, #tpu.memory_space<vmem_shared>>
        %dma_start3A_59 = tpu.memref_squeeze %dma_start3A_58 : memref<1x16x128xf32, #tpu.memory_space<vmem_shared>> -> memref<16x128xf32, #tpu.memory_space<vmem_shared>>
        tpu.enqueue_dma source(%dma_start3A_59 : memref<16x128xf32, #tpu.memory_space<vmem_shared>>) target(%arg10 : memref<16x128xf32, #tpu.memory_space<vmem>>) target_semaphore(%run_scoped3A_52 : memref<!tpu.dma_semaphore, #tpu.memory_space<semaphore_mem>>)
        %dma_wait3A = arith.constant 0 : i32
        %dma_wait3A_60 = arith.constant 0 : i32
        %dma_wait3A_61 = tpu.memref_slice %arg12[%arg1, %dma_wait3A, %dma_wait3A_60] : memref<16x16x128xf32, #tpu.memory_space<vmem_shared>> -> memref<1x16x128xf32, #tpu.memory_space<vmem_shared>>
        %dma_wait3A_62 = tpu.memref_squeeze %dma_wait3A_61 : memref<1x16x128xf32, #tpu.memory_space<vmem_shared>> -> memref<16x128xf32, #tpu.memory_space<vmem_shared>>
        %dma_wait3A_63 = arith.constant 0 : i32
        %dma_wait3A_64 = arith.constant 0 : i32
        %dma_wait3A_65 = tpu.memref_slice %arg12[%arg1, %dma_wait3A_63, %dma_wait3A_64] : memref<16x16x128xf32, #tpu.memory_space<vmem_shared>> -> memref<1x16x128xf32, #tpu.memory_space<vmem_shared>>
        %dma_wait3A_66 = tpu.memref_squeeze %dma_wait3A_65 : memref<1x16x128xf32, #tpu.memory_space<vmem_shared>> -> memref<16x128xf32, #tpu.memory_space<vmem_shared>>
        tpu.wait_dma2 semaphore(%run_scoped3A_52 : memref<!tpu.dma_semaphore, #tpu.memory_space<semaphore_mem>>) src(%dma_wait3A_66 : memref<16x128xf32, #tpu.memory_space<vmem_shared>>) dst(%arg10 : memref<16x128xf32, #tpu.memory_space<vmem>>)
        tpu.yield
      }) : () -> ()
      %run_scoped3A = arith.constant 0 : i32
      "tpu.region"() ({
        %run_scoped3A_52 = tpu.sem_alloc : memref<!tpu.dma_semaphore, #tpu.memory_space<semaphore_mem>>
        %dma_start3A = arith.constant 0 : i32
        %dma_start3A_53 = arith.constant 0 : i32
        %dma_start3A_54 = tpu.memref_slice %arg12[%run_scoped3A, %dma_start3A, %dma_start3A_53] : memref<16x16x128xf32, #tpu.memory_space<vmem_shared>> -> memref<1x16x128xf32, #tpu.memory_space<vmem_shared>>
        %dma_start3A_55 = tpu.memref_squeeze %dma_start3A_54 : memref<1x16x128xf32, #tpu.memory_space<vmem_shared>> -> memref<16x128xf32, #tpu.memory_space<vmem_shared>>
        %dma_start3A_56 = arith.constant 0 : i32
        %dma_start3A_57 = arith.constant 0 : i32
        %dma_start3A_58 = tpu.memref_slice %dma_start3A_55[%dma_start3A_56, %dma_start3A_57] : memref<16x128xf32, #tpu.memory_space<vmem_shared>> -> memref<16x128xf32, #tpu.memory_space<vmem_shared>>
        tpu.enqueue_indirect_dma source(%arg10 : memref<16x128xf32, #tpu.memory_space<vmem>>) target(%dma_start3A_58 : memref<16x128xf32, #tpu.memory_space<vmem_shared>>) offsets(%arg11 : memref<16xi32, #tpu.memory_space<vmem>>) semaphore(%run_scoped3A_52 : memref<!tpu.dma_semaphore, #tpu.memory_space<semaphore_mem>>) {add = true}
        %dma_wait3A = arith.constant 0 : i32
        %dma_wait3A_59 = arith.constant 0 : i32
        %dma_wait3A_60 = tpu.memref_slice %arg12[%run_scoped3A, %dma_wait3A, %dma_wait3A_59] : memref<16x16x128xf32, #tpu.memory_space<vmem_shared>> -> memref<1x16x128xf32, #tpu.memory_space<vmem_shared>>
        %dma_wait3A_61 = tpu.memref_squeeze %dma_wait3A_60 : memref<1x16x128xf32, #tpu.memory_space<vmem_shared>> -> memref<16x128xf32, #tpu.memory_space<vmem_shared>>
        %dma_wait3A_62 = arith.constant 0 : i32
        %dma_wait3A_63 = arith.constant 0 : i32
        %dma_wait3A_64 = tpu.memref_slice %dma_wait3A_61[%dma_wait3A_62, %dma_wait3A_63] : memref<16x128xf32, #tpu.memory_space<vmem_shared>> -> memref<16x128xf32, #tpu.memory_space<vmem_shared>>
        tpu.wait_indirect_dma semaphore(%run_scoped3A_52 : memref<!tpu.dma_semaphore, #tpu.memory_space<semaphore_mem>>) src(%arg10 : memref<16x128xf32, #tpu.memory_space<vmem>>) dst(%dma_wait3A_64 : memref<16x128xf32, #tpu.memory_space<vmem_shared>>)
        tpu.yield
      }) : () -> ()
    } else {
    }
    %barrier3A_47 = arith.constant 0 : index
    tpu.barrier barrier_id(%barrier3A_47)
    %eq3A = arith.constant 0 : i32
    %eq3A_48 = arith.cmpi eq, %arg1, %eq3A : i32
    %convert_element_type3A_49 = arith.extui %eq3A_48 : i1 to i32
    %cond3A_50 = arith.constant 0 : i32
    %cond3A_51 = arith.cmpi ne, %convert_element_type3A_49, %cond3A_50 : i32
    scf.if %cond3A_51 {
      %run_scoped3A = arith.constant 0 : i32
      "tpu.region"() ({
        %run_scoped3A_52 = tpu.sem_alloc : memref<!tpu.dma_semaphore, #tpu.memory_space<semaphore_mem>>
        %dma_start3A = arith.constant 0 : i32
        %dma_start3A_53 = arith.constant 0 : i32
        %dma_start3A_54 = tpu.memref_slice %arg5[%arg0, %dma_start3A, %dma_start3A_53] : memref<2x16x128xf32, #tpu.memory_space<hbm>> -> memref<1x16x128xf32, #tpu.memory_space<hbm>>
        %dma_start3A_55 = tpu.memref_squeeze %dma_start3A_54 : memref<1x16x128xf32, #tpu.memory_space<hbm>> -> memref<16x128xf32, #tpu.memory_space<hbm>>
        %dma_start3A_56 = arith.constant 0 : i32
        %dma_start3A_57 = arith.constant 0 : i32
        %dma_start3A_58 = tpu.memref_slice %arg12[%run_scoped3A, %dma_start3A_56, %dma_start3A_57] : memref<16x16x128xf32, #tpu.memory_space<vmem_shared>> -> memref<1x16x128xf32, #tpu.memory_space<vmem_shared>>
        %dma_start3A_59 = tpu.memref_squeeze %dma_start3A_58 : memref<1x16x128xf32, #tpu.memory_space<vmem_shared>> -> memref<16x128xf32, #tpu.memory_space<vmem_shared>>
        tpu.enqueue_dma source(%dma_start3A_59 : memref<16x128xf32, #tpu.memory_space<vmem_shared>>) target(%dma_start3A_55 : memref<16x128xf32, #tpu.memory_space<hbm>>) target_semaphore(%run_scoped3A_52 : memref<!tpu.dma_semaphore, #tpu.memory_space<semaphore_mem>>)
        %dma_wait3A = arith.constant 0 : i32
        %dma_wait3A_60 = arith.constant 0 : i32
        %dma_wait3A_61 = tpu.memref_slice %arg5[%arg0, %dma_wait3A, %dma_wait3A_60] : memref<2x16x128xf32, #tpu.memory_space<hbm>> -> memref<1x16x128xf32, #tpu.memory_space<hbm>>
        %dma_wait3A_62 = tpu.memref_squeeze %dma_wait3A_61 : memref<1x16x128xf32, #tpu.memory_space<hbm>> -> memref<16x128xf32, #tpu.memory_space<hbm>>
        %dma_wait3A_63 = arith.constant 0 : i32
        %dma_wait3A_64 = arith.constant 0 : i32
        %dma_wait3A_65 = tpu.memref_slice %arg12[%run_scoped3A, %dma_wait3A_63, %dma_wait3A_64] : memref<16x16x128xf32, #tpu.memory_space<vmem_shared>> -> memref<1x16x128xf32, #tpu.memory_space<vmem_shared>>
        %dma_wait3A_66 = tpu.memref_squeeze %dma_wait3A_65 : memref<1x16x128xf32, #tpu.memory_space<vmem_shared>> -> memref<16x128xf32, #tpu.memory_space<vmem_shared>>
        tpu.wait_dma2 semaphore(%run_scoped3A_52 : memref<!tpu.dma_semaphore, #tpu.memory_space<semaphore_mem>>) src(%dma_wait3A_66 : memref<16x128xf32, #tpu.memory_space<vmem_shared>>) dst(%dma_wait3A_62 : memref<16x128xf32, #tpu.memory_space<hbm>>)
        tpu.yield
      }) : () -> ()
    } else {
    }
    return
  }
}

module attributes {stable_mosaic.version = 14 : i64} {
  func.func @_head_kernel(%arg0: i32, %arg1: memref<1x1x4960xi32, #tpu.memory_space<vmem>>, %arg2: memref<4960x128xf32, #tpu.memory_space<vmem>>, %arg3: memref<2x16x128xf32, #tpu.memory_space<vmem>>, %arg4: memref<128x32xf32, #tpu.memory_space<vmem>>, %arg5: memref<1x32xf32, #tpu.memory_space<vmem>>, %arg6: memref<32x128xf32, #tpu.memory_space<vmem>>, %arg7: memref<1x128xf32, #tpu.memory_space<vmem>>, %arg8: memref<16x128xf32, #tpu.memory_space<vmem>>) attributes {dimension_semantics = [#tpu.dimension_semantics<arbitrary>], iteration_bounds = array<i64: 1>, scalar_prefetch = 0 : i64, scratch_operands = 0 : i64, tpu.core_type = #tpu.core_type<tc>, window_params = [{pipeline_mode = #tpu.pipeline_mode<synchronous>, transform_indices = @transform_0, window_bounds = array<i64: 1, 1, 4960>}, {transform_indices = @transform_1, window_bounds = array<i64: 4960, 128>}, {pipeline_mode = #tpu.pipeline_mode<synchronous>, transform_indices = @transform_2, window_bounds = array<i64: 2, 16, 128>}, {pipeline_mode = #tpu.pipeline_mode<synchronous>, transform_indices = @transform_3, window_bounds = array<i64: 128, 32>}, {pipeline_mode = #tpu.pipeline_mode<synchronous>, transform_indices = @transform_4, window_bounds = array<i64: 1, 32>}, {pipeline_mode = #tpu.pipeline_mode<synchronous>, transform_indices = @transform_5, window_bounds = array<i64: 32, 128>}, {pipeline_mode = #tpu.pipeline_mode<synchronous>, transform_indices = @transform_6, window_bounds = array<i64: 1, 128>}, {pipeline_mode = #tpu.pipeline_mode<synchronous>, transform_indices = @transform_7, window_bounds = array<i64: 16, 128>}]} {
    %get3A = arith.constant 0 : index
    %get3A_0 = arith.constant 0 : index
    %get3A_1 = arith.constant 0 : index
    %get3A_2 = vector.load %arg1[%get3A, %get3A_0, %get3A_1] : memref<1x1x4960xi32, #tpu.memory_space<vmem>>, vector<1x1x4960xi32>
    %get3A_3 = vector.shape_cast %get3A_2 : vector<1x1x4960xi32> to vector<4960xi32>
    %iota3A = tpu.iota {dimensions = array<i32: 0>} : vector<16x4960xi32>
    %broadcast_in_dim3A = vector.shape_cast %get3A_3 : vector<4960xi32> to vector<1x4960xi32>
    %eq3A = vector.broadcast %broadcast_in_dim3A : vector<1x4960xi32> to vector<16x4960xi32>
    %eq3A_4 = arith.cmpi eq, %eq3A, %iota3A : vector<16x4960xi32>
    %convert_element_type3A = arith.extui %eq3A_4 : vector<16x4960xi1> to vector<16x4960xi32>
    %convert_element_type3A_5 = arith.sitofp %convert_element_type3A : vector<16x4960xi32> to vector<16x4960xf32>
    %get3A_6 = arith.constant 0 : index
    %get3A_7 = arith.constant 0 : index
    %get3A_8 = vector.load %arg2[%get3A_6, %get3A_7] : memref<4960x128xf32, #tpu.memory_space<vmem>>, vector<4960x128xf32>
    %dot_general3A = arith.constant dense<0.000000e+00> : vector<16x128xf32>
    %dot_general3A_9 = tpu.matmul %convert_element_type3A_5, %get3A_8, %dot_general3A {dimension_numbers = #tpu.dot_dimension_numbers<[1], [0], [0], [1], [0, 0, 1, 1], [], []>, transpose_lhs_hint = false} : vector<16x4960xf32>, vector<4960x128xf32>, vector<16x128xf32> -> vector<16x128xf32>
    %get3A_10 = arith.constant 0 : index
    %get3A_11 = arith.constant 0 : index
    %get3A_12 = arith.constant 0 : index
    %get3A_13 = vector.load %arg3[%get3A_10, %get3A_11, %get3A_12] : memref<2x16x128xf32, #tpu.memory_space<vmem>>, vector<1x16x128xf32>
    %get3A_14 = vector.shape_cast %get3A_13 : vector<1x16x128xf32> to vector<16x128xf32>
    %add3A = arith.addf %dot_general3A_9, %get3A_14 : vector<16x128xf32>
    %get3A_15 = arith.constant 1 : index
    %get3A_16 = arith.constant 0 : index
    %get3A_17 = arith.constant 0 : index
    %get3A_18 = vector.load %arg3[%get3A_15, %get3A_16, %get3A_17] : memref<2x16x128xf32, #tpu.memory_space<vmem>>, vector<1x16x128xf32>
    %get3A_19 = vector.shape_cast %get3A_18 : vector<1x16x128xf32> to vector<16x128xf32>
    %add3A_20 = arith.addf %add3A, %get3A_19 : vector<16x128xf32>
    %get3A_21 = arith.constant 0 : index
    %get3A_22 = arith.constant 0 : index
    %get3A_23 = vector.load %arg4[%get3A_21, %get3A_22] : memref<128x32xf32, #tpu.memory_space<vmem>>, vector<128x32xf32>
    %dot_general3A_24 = arith.constant dense<0.000000e+00> : vector<16x32xf32>
    %dot_general3A_25 = tpu.matmul %add3A_20, %get3A_23, %dot_general3A_24 {dimension_numbers = #tpu.dot_dimension_numbers<[1], [0], [0], [1], [0, 0, 1, 1], [], []>, transpose_lhs_hint = false} : vector<16x128xf32>, vector<128x32xf32>, vector<16x32xf32> -> vector<16x32xf32>
    %get3A_26 = arith.constant 0 : index
    %get3A_27 = arith.constant 0 : index
    %get3A_28 = vector.load %arg5[%get3A_26, %get3A_27] : memref<1x32xf32, #tpu.memory_space<vmem>>, vector<1x32xf32>
    %get3A_29 = vector.shape_cast %get3A_28 : vector<1x32xf32> to vector<32xf32>
    %broadcast_in_dim3A_30 = vector.shape_cast %get3A_29 : vector<32xf32> to vector<1x32xf32>
    %add3A_31 = vector.broadcast %broadcast_in_dim3A_30 : vector<1x32xf32> to vector<16x32xf32>
    %add3A_32 = arith.addf %dot_general3A_25, %add3A_31 : vector<16x32xf32>
    %get3A_33 = arith.constant 0 : index
    %get3A_34 = arith.constant 0 : index
    %get3A_35 = vector.load %arg6[%get3A_33, %get3A_34] : memref<32x128xf32, #tpu.memory_space<vmem>>, vector<32x128xf32>
    %dot_general3A_36 = arith.constant dense<0.000000e+00> : vector<16x128xf32>
    %dot_general3A_37 = tpu.matmul %add3A_32, %get3A_35, %dot_general3A_36 {dimension_numbers = #tpu.dot_dimension_numbers<[1], [0], [0], [1], [0, 0, 1, 1], [], []>, transpose_lhs_hint = false} : vector<16x32xf32>, vector<32x128xf32>, vector<16x128xf32> -> vector<16x128xf32>
    %get3A_38 = arith.constant 0 : index
    %get3A_39 = arith.constant 0 : index
    %get3A_40 = vector.load %arg7[%get3A_38, %get3A_39] : memref<1x128xf32, #tpu.memory_space<vmem>>, vector<1x128xf32>
    %get3A_41 = vector.shape_cast %get3A_40 : vector<1x128xf32> to vector<128xf32>
    %broadcast_in_dim3A_42 = vector.shape_cast %get3A_41 : vector<128xf32> to vector<1x128xf32>
    %add3A_43 = vector.broadcast %broadcast_in_dim3A_42 : vector<1x128xf32> to vector<16x128xf32>
    %add3A_44 = arith.addf %dot_general3A_37, %add3A_43 : vector<16x128xf32>
    %logistic3A = arith.negf %add3A_44 : vector<16x128xf32>
    %logistic3A_45 = math.exp %logistic3A : vector<16x128xf32>
    %logistic3A_46 = arith.constant 1.000000e+00 : f32
    %logistic3A_47 = vector.broadcast %logistic3A_46 : f32 to vector<16x128xf32>
    %logistic3A_48 = arith.addf %logistic3A_47, %logistic3A_45 : vector<16x128xf32>
    %logistic3A_49 = arith.divf %logistic3A_47, %logistic3A_48 : vector<16x128xf32>
    %swap3A = arith.constant 0 : index
    %swap3A_50 = arith.constant 0 : index
    %swap3A_51 = vector.load %arg8[%swap3A, %swap3A_50] : memref<16x128xf32, #tpu.memory_space<vmem>>, vector<16x128xf32>
    tpu.vector_store %arg8[%swap3A, %swap3A_50], %logistic3A_49 {strides = array<i32>} : memref<16x128xf32, #tpu.memory_space<vmem>>, vector<16x128xf32>,
    return
  }
  func.func @transform_0(%arg0: i32) -> (i32, i32, i32) {
    %c0_i32 = arith.constant 0 : i32
    %c0_i32_0 = arith.constant 0 : i32
    %c0_i32_1 = arith.constant 0 : i32
    %c0_i32_2 = arith.constant 0 : i32
    return %c0_i32, %c0_i32_0, %c0_i32_1 : i32, i32, i32
  }
  func.func @transform_1(%arg0: i32) -> (i32, i32) {
    %c0_i32 = arith.constant 0 : i32
    %c0_i32_0 = arith.constant 0 : i32
    %c0_i32_1 = arith.constant 0 : i32
    return %c0_i32, %c0_i32_0 : i32, i32
  }
  func.func @transform_2(%arg0: i32) -> (i32, i32, i32) {
    %c0_i32 = arith.constant 0 : i32
    %c0_i32_0 = arith.constant 0 : i32
    %c0_i32_1 = arith.constant 0 : i32
    %c0_i32_2 = arith.constant 0 : i32
    return %c0_i32, %c0_i32_0, %c0_i32_1 : i32, i32, i32
  }
  func.func @transform_3(%arg0: i32) -> (i32, i32) {
    %c0_i32 = arith.constant 0 : i32
    %c0_i32_0 = arith.constant 0 : i32
    %c0_i32_1 = arith.constant 0 : i32
    return %c0_i32, %c0_i32_0 : i32, i32
  }
  func.func @transform_4(%arg0: i32) -> (i32, i32) {
    %c0_i32 = arith.constant 0 : i32
    %c0_i32_0 = arith.constant 0 : i32
    %c0_i32_1 = arith.constant 0 : i32
    return %c0_i32, %c0_i32_0 : i32, i32
  }
  func.func @transform_5(%arg0: i32) -> (i32, i32) {
    %c0_i32 = arith.constant 0 : i32
    %c0_i32_0 = arith.constant 0 : i32
    %c0_i32_1 = arith.constant 0 : i32
    return %c0_i32, %c0_i32_0 : i32, i32
  }
  func.func @transform_6(%arg0: i32) -> (i32, i32) {
    %c0_i32 = arith.constant 0 : i32
    %c0_i32_0 = arith.constant 0 : i32
    %c0_i32_1 = arith.constant 0 : i32
    return %c0_i32, %c0_i32_0 : i32, i32
  }
  func.func @transform_7(%arg0: i32) -> (i32, i32) {
    %c0_i32 = arith.constant 0 : i32
    %c0_i32_0 = arith.constant 0 : i32
    %c0_i32_1 = arith.constant 0 : i32
    return %c0_i32, %c0_i32_0 : i32, i32
  }
}

</mosaic_0001>

<sc_bundles>
// kernel: kernel.4.cloned.1.call-start
scs
__scs_entry_jumppad:
0x0: {  	(pc) =	sbr.rel $0x88, $3  }
0x1: {  	(tag) =	ssettag $0x0;
	lr =	simm.s32 $0x1  }
0x2: {  	[smem:$0x3F9B] =	sst lr;
	_ =	strace $0xD0000000  }
0x3: {  	_ = 	snop  }
0x4: {  	_ = 	snop  }
0x5: {  	_ = 	snop  }
0x6: {  	_ = 	snop  }
0x7: {  	_ = 	snop  }
__scs_overlays_trampoline_lowered:
0x8: {  	[smem:$0x3FAA] =	sst s0  }
0x9: {  	[smem:$0x3FAB] =	sst s1  }
0xa: {  	[smem:$0x3FAC] =	sst s2  }
0xb: {  	[smem:$0x3FAD] =	sst s3  }
0xc: {  	[smem:$0x3FAE] =	sst s4  }
0xd: {  	[smem:$0x3FAF] =	sst s5  }
0xe: {  	[smem:$0x3FB0] =	sst s6  }
0xf: {  	[smem:$0x3FB1] =	sst s7  }
0x10: {  	[smem:$0x3FB2] =	sst s8  }
0x11: {  	[smem:$0x3FB3] =	sst s9;
	s0 =	simm.s32 @!p0 $0x0  }
0x12: {  	s1 =	sld [smem:$0x3F99];
	s0 =	simm.s32 @p0 $0x1  }
0x13: {  	[smem:$0x3FB4] =	sst s0;
	s0 =	simm.s32 @!p1 $0x0  }
0x14: {  	s2 =	sld [smem:$0x3F98];
	s0 =	simm.s32 @p1 $0x1  }
0x15: {  	[smem:$0x3FB5] =	sst s0;
	s0 =	simm.s32 @!p2 $0x0  }
0x16: {  	s3 =	sld [smem:$0x3FDB];
	s0 =	simm.s32 @p2 $0x1  }
0x17: {  	s4 =	simm.s32 $0x1BF5;
	[smem:$0x3FB7] =	sst s0  }
0x18: {  	s0 =	sld [smem:$0x3F9A];
	_ =	swait.ge [sflag:s4], $0x0  }
0x19: {  	s7 =	sld [smem:$0x3F9B]  }
0x1a: {  	s8 =	sadd.s32 $0xFFFFE003, lr  }
0x1b: {  	s9 =	sadd.s32 $0xFFFFFEF7, lr;
	s5 =	simm.s32 $0xFFFFFFFF;
	p2 =	slt.u32 s8, $0xFFFFF086  }
0x1c: {  	p1 =	slt.u32 s9, $0xF7A;
	s5 =	simm.s32 @!p2 $0x0  }
0x1d: {  	s5 =	simm.s32 @p1 $0x1;
	p0 =	seq.s32 s7, s2  }
0x1e: {  	s7 =	smul.u32 @!p0 $0xF7A, s2;
	p2 =	seq.s32 @!p0 s5, $0x0  }
0x1f: {  	s9 =	smul.u32 $0xF7A, s1;
	s8 =	simm.s32 @!p0 $0x1BF5;
	p2 =	por !p2, p0  }
0x20: {  	[sflag:s8] =	ssyncset.s32 @!p0 $0xFFFFF086;
	s6 =	sadd.s32 @!p0 s3, s7;
	s7 =	simm.s32 @!p0 $0x108  }
0x21: {  	s3 =	sadd.s32 s3, s9;
	s6 =	sadd.s32 @!p0 $0x88, s6;
	s7 =	simm.s32 @p2 $0x1082  }
0x22: {  	[simem:s7], [sflag:s8] =	dma.local @!p0 [hbm:s6], $0xF7A  }
0x23: {  	s9 =	sor.u32 $0xD0000000, s2;
	s6 =	simm.s32 $0x108;
	_ =	swait.ge @!p0 [sflag:s8], $0x0  }
0x24: {  	s3 =	sadd.s32 $0x88, s3;
	s6 =	simm.s32 @!p1 $0x1082;
	[sflag:s4] =	ssyncset.s32 $0xFFFFF086  }
0x25: {  	[simem:s6], [sflag:s4] =	dma.local [hbm:s3], $0xF7A  }
0x26: {  	[smem:$0x3F9B] =	sst s1;
	(tag) =	ssettag s2;
	_ =	strace s9  }
0x27: {  	s1 =	sld [smem:$0x3FAB]  }
0x28: {  	s2 =	sld [smem:$0x3FAC]  }
0x29: {  	s4 =	sld [smem:$0x3FAE]  }
0x2a: {  	p0 =	seq.s32 s5, $0x0;
	s5 =	sld [smem:$0x3FAF]  }
0x2b: {  	s6 =	sld [smem:$0x3FB0]  }
0x2c: {  	s7 =	sld [smem:$0x3FB1]  }
0x2d: {  	s3 =	simm.s32 $0x108;
	s8 =	sld [smem:$0x3FB2]  }
0x2e: {  	s3 =	simm.s32 @!p0 $0x1082;
	s9 =	sld [smem:$0x3FB3]  }
0x2f: {  	lr =	sadd.s32 s0, s3;
	s0 =	sld [smem:$0x3FAA]  }
0x30: {  	s3 =	sld [smem:$0x3FAD]  }
0x31: {  	[smem:$0x3FB6] =	sst s10  }
0x32: {  	s10 =	sld [smem:$0x3FB4];
	_ =	sdelay $0x3  }
0x33: {  	p0 =	seq.s32 s10, $0x1;
	s10 =	sld [smem:$0x3FB6];
	_ =	sdelay $0x3  }
0x34: {  	[smem:$0x3FB6] =	sst s10  }
0x35: {  	s10 =	sld [smem:$0x3FB5];
	_ =	sdelay $0x3  }
0x36: {  	p1 =	seq.s32 s10, $0x1;
	s10 =	sld [smem:$0x3FB6];
	_ =	sdelay $0x3  }
0x37: {  	[smem:$0x3FB6] =	sst s10  }
0x38: {  	s10 =	sld [smem:$0x3FB7]  }
0x39: {  	_ = 	snop;
	(pc) =	sbr.ind lr, $3  }
0x3a: {  	_ = 	snop  }
0x3b: {  	_ = 	snop  }
0x3c: {  	p2 =	seq.s32 s10, $0x1;
	s10 =	sld [smem:$0x3FB6]  }
0x3d: {  	_ =	shalt  }
0x3e: {  	_ =	shalt  }
0x3f: {  	_ =	shalt  }
0x40: {  	_ =	shalt  }
0x41: {  	_ =	shalt  }
0x42: {  	_ =	shalt  }
0x43: {  	_ =	shalt  }
0x44: {  	_ =	shalt  }
0x45: {  	_ =	shalt  }
0x46: {  	_ =	shalt  }
0x47: {  	_ =	shalt  }
0x48: {  	_ =	shalt  }
0x49: {  	_ =	shalt  }
0x4a: {  	_ =	shalt  }
0x4b: {  	_ =	shalt  }
0x4c: {  	_ =	shalt  }
0x4d: {  	_ =	shalt  }
0x4e: {  	_ =	shalt  }
0x4f: {  	_ =	shalt  }
0x50: {  	_ =	shalt  }
0x51: {  	_ =	shalt  }
0x52: {  	_ =	shalt  }
0x53: {  	_ =	shalt  }
0x54: {  	_ =	shalt  }
0x55: {  	_ =	shalt  }
0x56: {  	_ =	shalt  }
0x57: {  	_ =	shalt  }
0x58: {  	_ =	shalt  }
0x59: {  	_ =	shalt  }
0x5a: {  	_ =	shalt  }
0x5b: {  	_ =	shalt  }
0x5c: {  	_ =	shalt  }
0x5d: {  	_ =	shalt  }
0x5e: {  	_ =	shalt  }
0x5f: {  	_ =	shalt  }
0x60: {  	_ =	shalt  }
0x61: {  	_ =	shalt  }
0x62: {  	_ =	shalt  }
0x63: {  	_ =	shalt  }
0x64: {  	_ =	shalt  }
0x65: {  	_ =	shalt  }
0x66: {  	_ =	shalt  }
0x67: {  	_ =	shalt  }
0x68: {  	_ =	shalt  }
0x69: {  	_ =	shalt  }
0x6a: {  	_ =	shalt  }
0x6b: {  	_ =	shalt  }
0x6c: {  	_ =	shalt  }
0x6d: {  	_ =	shalt  }
0x6e: {  	_ =	shalt  }
0x6f: {  	_ =	shalt  }
0x70: {  	_ =	shalt  }
0x71: {  	_ =	shalt  }
0x72: {  	_ =	shalt  }
0x73: {  	_ =	shalt  }
0x74: {  	_ =	shalt  }
0x75: {  	_ =	shalt  }
0x76: {  	_ =	shalt  }
0x77: {  	_ =	shalt  }
0x78: {  	_ =	shalt  }
0x79: {  	_ =	shalt  }
0x7a: {  	_ =	shalt  }
0x7b: {  	_ =	shalt  }
0x7c: {  	_ =	shalt  }
0x7d: {  	_ =	shalt  }
0x7e: {  	_ =	shalt  }
0x7f: {  	_ =	shalt  }
0x80: {  	_ =	shalt  }
0x81: {  	_ =	shalt  }
0x82: {  	_ =	shalt  }
0x83: {  	_ =	shalt  }
0x84: {  	_ =	shalt  }
0x85: {  	_ =	shalt  }
0x86: {  	_ =	shalt  }
0x87: {  	_ =	shalt  }
.Lfunc_end0:
.L_simem_size_0:
called_computation_lowered:
.L_overlay_start_0:
0x88: {  	s2 =	sld [smem:$0x3FD9]  }
0x89: {  	s3 =	sld [smem:$0x3FFE];
	_ =	sdelay $0x1  }
0x8a: {  	s1 =	srdreg.scid  }
0x8b: {  	s0 =	sand.u32 $0x1, s1  }
0x8c: {  	s17 =	sshll.u32 s0, $0xA;
	s2 =	sadd.s32 s3, s2  }
0x8d: {  	s2 =	sadd.s32 s2, s17  }
0x8e: {  	[smem:$0x3FC2] =	sst s2  }
0x8f: {  	_ = 	snop  }
0x90: {  	s2 =	sld [smem:$0x3FC9]  }
0x91: {  	s18 =	sld [smem:$0x3FC8];
	(tm) =	ssettm $0x1  }
0x92: {  	s4 =	sld [smem:$0x3FFB];
	_ =	sdelay $0x3  }
0x93: {  	_ =	strace s4  }
0x94: {  	s4 =	sld [smem:$0x3FFC];
	_ =	sdelay $0x3  }
0x95: {  	_ =	strace s4  }
0x96: {  	s4 =	sld [smem:$0x3FFD];
	_ =	sdelay $0x3  }
0x97: {  	_ =	strace s4  }
0x98: {  	_ =	strace $0x8FFFFFFF  }
0x99: {  	s19 =	sld [smem:$0x3FDB];
	_ =	sdelay $0x1  }
0x9a: {  	s5 =	simm.s32 $_scs_section_size  }
0x9b: {  	s6 =	simm.s32 $_size__tile_overlayer_lowered;
	s7 =	simm.s32 $_tile_overlayer_lowered  }
0x9c: {  	s22 =	simm.s32 $0x1BFF;
	s21 =	sshll.u32 s7, $0x1;
	s4 =	sadd.s32 s5, s19  }
0x9d: {  	s8 =	simm.s32 $0x0;
	s20 =	sshll.u32 s6, $0x1;
	s6 =	sadd.s32 s21, s4  }
0x9e: {  	[timem:s8], [sflag:s22] =	dma.local [hbm:s6], s20  }
0x9f: {  	_ =	swait.ge [sflag:s22], s20  }
0xa0: {  	s5 =	ssub.s32 $0x0, s20;
	[sflag:s22] =	ssyncset.done $0x0  }
0xa1: {  	[sflag:s22] =	ssyncadd.s32 s5;
	_ =	sdelay $0x1  }
0xa2: {  	s23 =	simm.s32 $0x1B8B  }
0xa3: {  	_ =	swait.ge [sflag:s23], $0x1  }
0xa4: {  	[sflag:s23] =	ssyncset.done $0x0  }
0xa5: {  	s25 =	simm.s32 $0x1B8E;
	s24 =	sld [smem:$0x3FFE];
	[sflag:s23] =	ssyncadd.s32 $0xFFFFFFFF  }
0xa6: {  	s26 =	simm.s32 $execute0_lowered;
	[smem:$0x3FD2] =	sst s25  }
0xa7: {  	s6 =	sshll.u32 s26, $0x1;
	_ =	strace $0x80000046;
	[dreg:$0x1] =	wrdreg $0xFFFFFFFF  }
0xa8: {  	s28 =	simm.s32 $_size_execute0_lowered;
	s4 =	sadd.s32 s4, s6;
	[dreg:$0x0] =	wrdreg $0x0  }
0xa9: {  	s6 =	sshll.u32 s28, $0x1;
	[dreg:$0x2] =	wrdreg s4  }
0xaa: {  	[dreg:$0x3] =	wrdreg s6  }
0xab: {  	[dreg:$0x4] =	wrdreg $0xC0  }
0xac: {  	_ =	task [dreg:s8], $0x5FFFF  }
0xad: {  	[dreg:$0x1] =	wrdreg $0xFFFFFFFF  }
0xae: {  	[dreg:$0x0] =	wrdreg $0x60  }
0xaf: {  	[dreg:$0x2] =	wrdreg s2  }
0xb0: {  	[dreg:$0x3] =	wrdreg s18  }
0xb1: {  	[dreg:$0x4] =	wrdreg s24  }
0xb2: {  	[dreg:$0x5] =	wrdreg $0x59800  }
0xb3: {  	[dreg:$0x6] =	wrdreg $0x9  }
0xb4: {  	_ =	task.clear_ibuf [dreg:s8], $0x7FFFF;
	_ =	strace $0x90000046  }
0xb5: {  	s29 =	simm.s32 $0x9;
	_ =	strace $0x80000048  }
0xb6: {  	_ =	swait.ge [sflag:s29], $0x1  }
0xb7: {  	[sflag:s29] =	ssyncadd.s32 $0xFFFFFFFF  }
0xb8: {  	_ =	strace $0x90000048  }
0xb9: {  	_ =	sfence  }
0xba: {  	s30 =	sld [smem:$0x0];
	_ =	sdelay $0x2  }
0xbb: {  	s31 =	sshll.u32 s1, $0xD;
	s1 =	sshrl.u32 s1, $0x2  }
0xbc: {  	s3 =	sand.u32 $0x4000, s31;
	s1 =	sadd.s32 s1, s30  }
0xbd: {  	s0 =	sor.u32 s3, s0;
	s1 =	sshll.u32 s1, $0x11  }
0xbe: {  	s0 =	sor.u32 s1, s0  }
0xbf: {  	s0 =	sadd.s32 $0x8F2B, s0  }
0xc0: {  	[sflag:s0] =	ssyncadd.remote.s32 $0x1  }
0xc1: {  	_ =	sfence.sel $0xFFFF  }
0xc2: {  	[dreg:$0x0] =	wrdreg $0xFFFFFFFF;
	(pc) =	sbr.abs _section_cstart, $3  }
0xc3: {  	[dreg:$0x1] =	wrdreg $0xFFFFFFFF  }
0xc4: {  	_ =	task.clear_ibuf [dreg:s8], $0x2FFFF;
	_ =	strace $0x9FFFFFFF  }
0xc5: {  	(tm) =	ssettm $0x7FFFFFFF  }
tec
execute0_lowered:
.L_overlay_start_1:
0x0: {  	(tag) =	ssettag $0x1  }
0x1: {  	s7 =	rddreg [dreg:$0x0]  }
0x2: {  	s8 =	rddreg [dreg:$0x1];
	s0 =	srdreg.scid  }
0x3: {  	s26 =	stileid.u32;
	s1 =	rddreg [dreg:$0x2]  }
0x4: {  	s2 =	rddreg [dreg:$0x3];
	s0 =	sand.u32 $0x1, s0;
	s3 =	sshll.u32 s26, $0x1  }
0x5: {  	s15 =	simm.s32 $0x6;
	s4 =	sadd.s32 $0xE00, s1;
	s10 =	sor.u32 s0, s3  }
0x6: {  	s12 =	sshll.u32 s26, $0xB;
	s3 =	simm.s32 $0x0;
	s9 =	smul.u32 $0x50, s10  }
0x7: {  	s25 =	sshll.u32 s26, $0x6;
	[smem:$0x7FF] =	sst s3;
	p0 =	seq.s32 s10, $0x1F  }
0x8: {  	s10 =	simm.s32 $0x5000;
	_ =	strace $0x80000047;
	s5 =	sadd.s32 $0x1360, s9  }
0x9: {  	s13 =	simm.s32 @!p0 $0x2800;
	s9 =	sadd.s32 $0x1D60, s9;
	s6 =	sshll.u32 s5, $0x4  }
0xa: {  	s11 =	sshrl.u32 s5, $0x3;
	s24 =	sshll.u32 s9, $0x4;
	s5 =	sadd.s32 s7, s6  }
0xb: {  	[tilespmem:s3], [sflag:$0x1] =	stream.linear.gather [hbm4b:s5+s3], $0x2800, $0x38;
	[tilespmem:$0x6180] =	vst v63  }
0xc: {  	s9 =	sshrl.u32 s9, $0x3;
	s6 =	sadd.s32 s8, s11;
	s7 =	sadd.s32 s7, s24  }
0xd: {  	[tilespmem:s10], [sflag:$0x2] =	stream.linear.gather [hbm4b:s6+s3], $0x50, $0x38;
	[tilespmem:$0x6180] =	vst v63  }
0xe: {  	s8 =	sadd.s32 s8, s9;
	s9 =	sadd.s32 s12, s2;
	s12 =	simm.s32 @!p0 $0x0  }
0xf: {  	[tilespmem:s13], [sflag:$0x3] =	stream.linear.gather @!p0 [hbm4b:s7+s12], $0x2800, $0x38;
	[tilespmem:$0x6180] =	vst v63  }
0x10: {  	s16 =	simm.s32 @!p0 $0x5080;
	s11 =	sor.u32 $0x1C06, s25;
	s14 =	sshrl.u32 s9, $0x3  }
0x11: {  	[tilespmem:s16], [sflag:$0x4] =	stream.linear.gather @!p0 [hbm4b:s8+s12], $0x50, $0x38;
	[tilespmem:$0x6180] =	vst v63  }
0x12: {  	[spmem:s14], [sflag:s11] =	dma.local [hbm:s4], $0x100  }
0x13: {  	_ =	swait.ge [sflag:s15], $0x100  }
0x14: {  	[sflag:s15] =	ssyncset.done $0x0  }
0x15: {  	s17 =	simm.s32 $0x1;
	[sflag:s15] =	ssyncadd.s32 $0xFFFFFF00  }
0x16: {  	_ =	swait.ge [sflag:s17], $0x2800  }
0x17: {  	[sflag:s17] =	ssyncset.done $0x0  }
0x18: {  	s18 =	simm.s32 $0x2;
	[sflag:s17] =	ssyncadd.s32 $0xFFFFD800  }
0x19: {  	_ =	swait.ge [sflag:s18], $0x50  }
0x1a: {  	[sflag:s18] =	ssyncset.done $0x0  }
0x1b: {  	s19 =	simm.s32 $0x50;
	s20 =	simm.s32 @!p0 $0x3;
	[sflag:s18] =	ssyncadd.s32 $0xFFFFFFB0  }
0x1c: {  	[spmem:s9] =	stream.indirect.scatter.add.f32 [tilespmem:s3], [sflag:$0x5], $0x80, s10, s19, $0xb8;
	[tilespmem:$0x6180] =	vst v63  }
0x1d: {  	_ =	swait.ge @!p0 [sflag:s20], $0x2800  }
0x1e: {  	[sflag:s20] =	ssyncset.done @!p0 $0x0  }
0x1f: {  	s21 =	simm.s32 @!p0 $0x4;
	[sflag:s20] =	ssyncadd.s32 @!p0 $0xFFFFD800  }
0x20: {  	_ =	swait.ge @!p0 [sflag:s21], $0x50  }
0x21: {  	[sflag:s21] =	ssyncset.done @!p0 $0x0  }
0x22: {  	s22 =	simm.s32 @!p0 $0x50;
	s23 =	simm.s32 @!p0 $0x5;
	[sflag:s21] =	ssyncadd.s32 @!p0 $0xFFFFFFB0  }
0x23: {  	[spmem:s9] =	stream.indirect.scatter.add.f32 @!p0 [tilespmem:s13], [sflag:$0x5], $0x80, s16, s22, $0xb8;
	[tilespmem:$0x6180] =	vst v63  }
0x24: {  	_ =	swait.ge @!p0 [sflag:s23], $0x2800  }
0x25: {  	[sflag:s23] =	ssyncset.done @!p0 $0x0  }
0x26: {  	s24 =	simm.s32 $0x5;
	[sflag:s23] =	ssyncadd.s32 @!p0 $0xFFFFD800  }
0x27: {  	_ =	swait.ge [sflag:s24], $0x2800  }
0x28: {  	[sflag:s24] =	ssyncset.done $0x0  }
0x29: {  	v0 =	vlaneseq.u32;
	p1 =	seq.s32 s26, $0x0;
	[sflag:s24] =	ssyncadd.s32 $0xFFFFD800  }
0x2a: {  	s26 =	sshrl.u32 @p1 s2, $0x3;
	s25 =	sshll.u32 s0, $0x8;
	[tilespmem:$0x5900] =	vst v0  }
0x2b: {  	s28 =	simm.s32 @p1 $0x6;
	s1 =	sadd.s32 s25, s1;
	[bflag:$0x0] =	sbarrier.arrive $0xFFFF  }
0x2c: {  	s0 =	ssub.s32 $0x2, s0;
	s25 =	sadd.s32 $0x1000, s1;
	[bflag:$0x0] =	sbarrier.arrive @p1 $0xFFFF  }
0x2d: {  	[hbm:s25], [sflag:s11] =	dma.local @p1 [spmem:s26], $0x100  }
0x2e: {  	s1 =	sshrl.u32 s0, $0x1;
	_ =	swait.ge @p1 [sflag:s28], $0x100  }
0x2f: {  	s29 =	simm.s32 @!p1 $0x5100;
	s0 =	ssub.s32 s0, s1;
	[sflag:s28] =	ssyncset.done @p1 $0x0  }
0x30: {  	s30 =	simm.s32 @!p1 $0x6;
	s0 =	smax.u32 s0, $0x1;
	[sflag:s28] =	ssyncadd.s32 @p1 $0xFFFFFF00  }
0x31: {  	[tilespmem:s29], [sflag:$0x6] =	stream.linear.gather @!p1 [spmem:s9], $0x800, $0x38;
	[tilespmem:$0x6180] =	vst v63  }
0x32: {  	s0 =	sadd.s32 $0xFFFFFFFF, s0;
	_ =	swait.ge @!p1 [sflag:s30], $0x800  }
0x33: {  	s31 =	simm.s32 @!p1 $0x5900;
	p2 =	sne.s32 s0, $0x0;
	[sflag:s30] =	ssyncset.done @!p1 $0x0  }
.Ltmp0:
0x34: {  	s1 =	simm.s32 @!p1 $0x10;
	[sflag:s30] =	ssyncadd.s32 @!p1 $0xFFFFF800;
	(pc) =	sbr.rel @!p2 .LBB2_2-.Ltmp0, $4  }
0x35: {  	[spmem:s2] =	stream.indirect.scatter.add.f32 @!p1 [tilespmem:s29], [sflag:$0x6], $0x80, s31, s1, $0xb8;
	[tilespmem:$0x6180] =	vst v63  }
0x36: {  	_ =	swait.ge @!p1 [sflag:s30], $0x800  }
0x37: {  	[sflag:s30] =	ssyncset.done @!p1 $0x0  }
0x38: {  	[sflag:s30] =	ssyncadd.s32 @!p1 $0xFFFFF800  }
.LBB2_1:
0x39: {  	s0 =	sadd.s32 $0xFFFFFFFF, s0;
	[bflag:$0x0] =	sbarrier.arrive @!p1 $0xFFFF  }
0x3a: {  	[tilespmem:s3], [sflag:$0x1] =	stream.linear.gather [hbm4b:s5+s3], $0x2800, $0x38;
	[tilespmem:$0x6180] =	vst v63  }
0x3b: {  	p2 =	sne.s32 s0, $0x0  }
0x3c: {  	[tilespmem:s10], [sflag:$0x2] =	stream.linear.gather [hbm4b:s6+s3], $0x50, $0x38;
	[tilespmem:$0x6180] =	vst v63  }
0x3d: {  	_ = 	snop  }
0x3e: {  	[tilespmem:s13], [sflag:$0x3] =	stream.linear.gather @!p0 [hbm4b:s7+s12], $0x2800, $0x38;
	[tilespmem:$0x6180] =	vst v63  }
0x3f: {  	_ = 	snop  }
0x40: {  	[tilespmem:s16], [sflag:$0x4] =	stream.linear.gather @!p0 [hbm4b:s8+s12], $0x50, $0x38;
	[tilespmem:$0x6180] =	vst v63  }
0x41: {  	[spmem:s14], [sflag:s11] =	dma.local [hbm:s4], $0x100  }
0x42: {  	_ =	swait.ge [sflag:s15], $0x100  }
0x43: {  	[sflag:s15] =	ssyncset.done $0x0  }
0x44: {  	[sflag:s15] =	ssyncadd.s32 $0xFFFFFF00  }
0x45: {  	_ =	swait.ge [sflag:s17], $0x2800  }
0x46: {  	[sflag:s17] =	ssyncset.done $0x0  }
0x47: {  	[sflag:s17] =	ssyncadd.s32 $0xFFFFD800  }
0x48: {  	_ =	swait.ge [sflag:s18], $0x50  }
0x49: {  	[sflag:s18] =	ssyncset.done $0x0  }
0x4a: {  	[sflag:s18] =	ssyncadd.s32 $0xFFFFFFB0  }
0x4b: {  	[spmem:s9] =	stream.indirect.scatter.add.f32 [tilespmem:s3], [sflag:$0x5], $0x80, s10, s19, $0xb8;
	[tilespmem:$0x6180] =	vst v63  }
0x4c: {  	_ =	swait.ge @!p0 [sflag:s20], $0x2800  }
0x4d: {  	[sflag:s20] =	ssyncset.done @!p0 $0x0  }
0x4e: {  	[sflag:s20] =	ssyncadd.s32 @!p0 $0xFFFFD800  }
0x4f: {  	_ =	swait.ge @!p0 [sflag:s21], $0x50  }
0x50: {  	[sflag:s21] =	ssyncset.done @!p0 $0x0  }
0x51: {  	[sflag:s21] =	ssyncadd.s32 @!p0 $0xFFFFFFB0  }
0x52: {  	[spmem:s9] =	stream.indirect.scatter.add.f32 @!p0 [tilespmem:s13], [sflag:$0x5], $0x80, s16, s22, $0xb8;
	[tilespmem:$0x6180] =	vst v63  }
0x53: {  	_ =	swait.ge @!p0 [sflag:s23], $0x2800  }
0x54: {  	[sflag:s23] =	ssyncset.done @!p0 $0x0  }
0x55: {  	[sflag:s23] =	ssyncadd.s32 @!p0 $0xFFFFD800  }
0x56: {  	_ =	swait.ge [sflag:s24], $0x2800  }
0x57: {  	[sflag:s24] =	ssyncset.done $0x0  }
0x58: {  	[sflag:s24] =	ssyncadd.s32 $0xFFFFD800  }
0x59: {  	[tilespmem:$0x5900] =	vst v0  }
0x5a: {  	[bflag:$0x0] =	sbarrier.arrive $0xFFFF  }
0x5b: {  	[bflag:$0x0] =	sbarrier.arrive @p1 $0xFFFF  }
0x5c: {  	[hbm:s25], [sflag:s11] =	dma.local @p1 [spmem:s26], $0x100  }
0x5d: {  	_ =	swait.ge @p1 [sflag:s28], $0x100  }
0x5e: {  	[sflag:s28] =	ssyncset.done @p1 $0x0  }
0x5f: {  	[sflag:s28] =	ssyncadd.s32 @p1 $0xFFFFFF00  }
0x60: {  	[tilespmem:s29], [sflag:$0x6] =	stream.linear.gather @!p1 [spmem:s9], $0x800, $0x38;
	[tilespmem:$0x6180] =	vst v63  }
0x61: {  	_ =	swait.ge @!p1 [sflag:s30], $0x800  }
0x62: {  	[sflag:s30] =	ssyncset.done @!p1 $0x0  }
.Ltmp1:
0x63: {  	[sflag:s30] =	ssyncadd.s32 @!p1 $0xFFFFF800;
	(pc) =	sbr.rel @p2 .LBB2_1-.Ltmp1, $4  }
0x64: {  	[spmem:s2] =	stream.indirect.scatter.add.f32 @!p1 [tilespmem:s29], [sflag:$0x6], $0x80, s31, s1, $0xb8;
	[tilespmem:$0x6180] =	vst v63  }
0x65: {  	_ =	swait.ge @!p1 [sflag:s30], $0x800  }
0x66: {  	[sflag:s30] =	ssyncset.done @!p1 $0x0  }
0x67: {  	[sflag:s30] =	ssyncadd.s32 @!p1 $0xFFFFF800  }
.LBB2_2:
0x68: {  	[bflag:$0x0] =	sbarrier.arrive @!p1 $0xFFFF  }
0x69: {  	_ =	sfence.sel $0x180000  }
0x6a: {  	[bflag:$0x0] =	sbarrier.arrive $0xFFFF  }
0x6b: {  	_ =	strace $0x90000047  }
0x6c: {  	s0 =	stileid.u32;
	[bflag:$0x2] =	sbarrier.arrive $0xFFFF  }
0x6d: {  	p0 =	sne.s32 s0, $0x0;
	s0 =	rddreg [dreg:$0x4]  }
0x6e: {  	s0 =	sadd.s32 @!p0 $0x100000, s0  }
0x6f: {  	[sflag:s0] =	ssyncadd.tile.s32 @!p0 $0x1;
	_ =	shalt  }
.Lfunc_end2:
_tile_overlayer_lowered:
.L_overlay_start_2:
0x70: {  	(tag) =	ssettag $0x2  }
0x71: {  	s0 =	rddreg [dreg:$0x0];
	s2 =	stileid.u32  }
0x72: {  	s1 =	rddreg [dreg:$0x1];
	p0 =	sne.s32 s2, $0x0  }
0x73: {  	s3 =	rddreg [dreg:$0x2];
	[bflag:$0x3] =	sbarrier.arrive $0xFFFF;
	s2 =	simm.s32 @!p0 $0x1C06  }
0x74: {  	[timem:s3], [sflag:s2] =	dma.local @!p0 [hbm:s0], s1  }
0x75: {  	s0 =	simm.s32 @!p0 $0x6  }
0x76: {  	_ =	swait.ge @!p0 [sflag:s0], s1  }
0x77: {  	s1 =	ssub.s32 @!p0 $0x0, s1;
	[sflag:s0] =	ssyncset.done @!p0 $0x0  }
0x78: {  	[sflag:s0] =	ssyncadd.s32 @!p0 s1  }
0x79: {  	[bflag:$0x3] =	sbarrier.arrive $0xFFFF  }
0x7a: {  	_ =	shalt  }

</sc_bundles>
